<compile_context>
chip_gen: v7x
topology: tpu7x:2x2x1
jax: 0.10.2.dev20260603
libtpu: 0.0.44.dev20260713+nightly
codegen_flags: <defaults>
</compile_context>

<pallas_src>
import jax
import jax.numpy as jnp
from jax import lax
from jax.experimental import pallas as pl
from jax.experimental.pallas import tpu as pltpu
from jax.experimental.pallas import tpu_sc as plsc

N = 500000
D = 128
B = 16
C = 200
NUM_CHUNKS = N // C
LANES = 16


def _gml_kernel(feat_hbm, idx_hbm, vec_hbm, out_hbm, fbuf, obuf, ibuf, vbuf):
    nc = 2
    ns = 16
    nw = nc * ns
    wid = lax.axis_index("s") * nc + lax.axis_index("c")

    pltpu.sync_copy(vec_hbm, vbuf)

    lane = lax.iota(jnp.int32, LANES)
    n_my_chunks = (NUM_CHUNKS - wid + nw - 1) // nw

    def chunk_body(k, _):
        c = wid + k * nw
        row0 = c * C
        e0 = row0 * D
        pltpu.sync_copy(feat_hbm.at[pl.ds(e0, C * D)], fbuf)
        pltpu.sync_copy(idx_hbm.at[pl.ds(row0, C)], ibuf)

        def row_body(r, _):
            rsplat = jnp.full((LANES,), r, jnp.int32)
            idxv = plsc.load_gather(ibuf, [rsplat])
            mbase = idxv * D + lane
            fbase = r * D
            for j in range(D // LANES):
                mult = plsc.load_gather(vbuf, [mbase + (LANES * j)])
                f = fbuf[pl.ds(fbase + LANES * j, LANES)]
                obuf[pl.ds(fbase + LANES * j, LANES)] = f * mult
            return 0

        lax.fori_loop(0, C, row_body, 0, unroll=False)
        pltpu.sync_copy(obuf, out_hbm.at[pl.ds(e0, C * D)])
        return 0

    lax.fori_loop(0, n_my_chunks, chunk_body, 0, unroll=False)


@jax.jit
def _gml(features_flat, point_idx, vecter_flat):
    mesh = plsc.VectorSubcoreMesh(core_axis_name="c", subcore_axis_name="s")
    run = pl.kernel(
        _gml_kernel,
        out_type=jax.ShapeDtypeStruct((N * D,), jnp.float32),
        mesh=mesh,
        scratch_types=[
            pltpu.VMEM((C * D,), jnp.float32),
            pltpu.VMEM((C * D,), jnp.float32),
            pltpu.VMEM((C,), jnp.int32),
            pltpu.VMEM((B * D,), jnp.float32),
        ],
        compiler_params=pltpu.CompilerParams(needs_layout_passes=False),
    )
    return run(features_flat, point_idx, vecter_flat)


def kernel(features, point_idx, vecter):
    out = _gml(
        features.reshape(N * D),
        point_idx.astype(jnp.int32),
        vecter.reshape(B * D),
    )
    return out.reshape(N, D)

# --- scband reference (transcript-rebuilt; emitter-appended) ---
"""Pipeline reference for scband-global-mask-layer-73461120631372 (READ-ONLY COPY).

The authoritative reference and input builder live on the scoring server;
editing this copy changes nothing except your own understanding.
"""

import jax, jax.numpy as jnp
import numpy as np

N = 500000
B = 16
D = 128

def setup_inputs(seed: int = 0) -> dict:
    key = jax.random.key(seed)
    k1, k2, k3 = jax.random.split(key, 3)
    features = jax.random.normal(k1, (N, D), dtype=jnp.float32)
    point_idx = jax.random.randint(k2, (N,), 0, B, dtype=jnp.int64)
    vecter = jax.random.normal(k3, (B, D), dtype=jnp.float32)
    return {"features": features, "point_idx": point_idx, "vecter": vecter}

def reference(features, point_idx, vecter):
    # GlobalMaskLayer.forward:
    #   point_idx = input.get_spatial_locations()[:, -1]  (batch index per point)
    #   output.features = input.features * vecter[point_idx]
    assert features.shape[-1] == vecter.shape[-1]
    gathered = jnp.take(vecter, point_idx, axis=0)  # [N, D] gather (embedding-style lookup)
    out_features = features * gathered
    return out_features

if __name__ == "__main__":
    import jax
    _d = setup_inputs()
    print(jax.jit(kernel)(*tuple(_d.values())))

</pallas_src>

<mosaic_0001>
#map = affine_map<(d0, d1) -> (0)>
module attributes {stable_mosaic.version = 14 : i64} {
  func.func @_gml_kernel(%arg0: i32, %arg1: i32, %arg2: memref<64000000xf32, #tpu.memory_space<hbm>>, %arg3: memref<500000xi32, #tpu.memory_space<hbm>>, %arg4: memref<2048xf32, #tpu.memory_space<hbm>>, %arg5: memref<64000000xf32, #tpu.memory_space<hbm>>, %arg6: memref<25600xf32, #tpu.memory_space<vmem>>, %arg7: memref<25600xf32, #tpu.memory_space<vmem>>, %arg8: memref<200xi32, #tpu.memory_space<vmem>>, %arg9: memref<2048xf32, #tpu.memory_space<vmem>>) attributes {dimension_semantics = [#tpu.dimension_semantics<core_parallel>, #tpu.dimension_semantics<subcore_parallel>], iteration_bounds = array<i64: 2, 16>, scalar_prefetch = 0 : i64, scratch_operands = 4 : i64, tpu.core_type = #tpu.core_type<sc_vector_subcore>, window_params = [{transform_indices = #map}, {transform_indices = #map}, {transform_indices = #map}, {transform_indices = #map}]} {
    %mul3A = arith.constant 2 : i32
    %mul3A_0 = arith.muli %arg1, %mul3A : i32
    %add3A = arith.addi %mul3A_0, %arg0 : i32
    "tpu.region"() ({
      %run_scoped3A = tpu.sem_alloc : memref<!tpu.dma_semaphore, #tpu.memory_space<semaphore_mem>>
      tpu.enqueue_dma source(%arg4 : memref<2048xf32, #tpu.memory_space<hbm>>) target(%arg9 : memref<2048xf32, #tpu.memory_space<vmem>>) target_semaphore(%run_scoped3A : memref<!tpu.dma_semaphore, #tpu.memory_space<semaphore_mem>>)
      tpu.wait_dma2 semaphore(%run_scoped3A : memref<!tpu.dma_semaphore, #tpu.memory_space<semaphore_mem>>) src(%arg4 : memref<2048xf32, #tpu.memory_space<hbm>>) dst(%arg9 : memref<2048xf32, #tpu.memory_space<vmem>>)
      tpu.yield
    }) : () -> ()
    %iota3A = tpu.iota {dimensions = array<i32: 0>} : vector<16xi32>
    %sub3A = arith.constant 2500 : i32
    %sub3A_1 = arith.subi %sub3A, %add3A : i32
    %add3A_2 = arith.constant 32 : i32
    %add3A_3 = arith.addi %sub3A_1, %add3A_2 : i32
    %sub3A_4 = arith.constant 1 : i32
    %sub3A_5 = arith.subi %add3A_3, %sub3A_4 : i32
    %jit3A = arith.constant 32 : i32
    %div3A = arith.divsi %sub3A_5, %jit3A : i32
    %sign3A = arith.constant 0 : i32
    %sign3A_6 = arith.cmpi sgt, %sub3A_5, %sign3A : i32
    %sign3A_7 = arith.extui %sign3A_6 : i1 to i32
    %sign3A_8 = arith.constant 0 : i32
    %sign3A_9 = arith.cmpi slt, %sub3A_5, %sign3A_8 : i32
    %sign3A_10 = arith.extui %sign3A_9 : i1 to i32
    %sign3A_11 = arith.subi %sign3A_7, %sign3A_10 : i32
    %sign3A_12 = arith.constant 0 : i32
    %sign3A_13 = arith.cmpi sgt, %jit3A, %sign3A_12 : i32
    %sign3A_14 = arith.extui %sign3A_13 : i1 to i32
    %sign3A_15 = arith.constant 0 : i32
    %sign3A_16 = arith.cmpi slt, %jit3A, %sign3A_15 : i32
    %sign3A_17 = arith.extui %sign3A_16 : i1 to i32
    %sign3A_18 = arith.subi %sign3A_14, %sign3A_17 : i32
    %ne3A = arith.cmpi ne, %sign3A_11, %sign3A_18 : i32
    %rem3A = arith.remsi %sub3A_5, %jit3A : i32
    %ne3A_19 = arith.constant 0 : i32
    %ne3A_20 = arith.cmpi ne, %rem3A, %ne3A_19 : i32
    %and3A = arith.andi %ne3A, %ne3A_20 : i1
    %sub3A_21 = arith.constant 1 : i32
    %sub3A_22 = arith.subi %div3A, %sub3A_21 : i32
    %select_n3A = arith.select %and3A, %sub3A_22, %div3A : i32
    %while3A = arith.constant 0 : i32
    %while3A_23 = arith.constant 0 : i32
    %while3A_24 = arith.subi %select_n3A, %while3A : i32
    %while3A_25 = arith.addi %while3A, %while3A_24 : i32
    %while3A_26 = arith.constant 1 : i32
    %while3A_27 = arith.divsi %while3A_24, %while3A_26 : i32
    %while3A_28 = arith.muli %while3A_27, %while3A_26 : i32
    %while3A_29 = arith.addi %while3A, %while3A_28 : i32
    %while3A_30 = arith.constant 1 : i32
    %while3A_31 = scf.for %while3A_34 = %while3A to %while3A_29 step %while3A_30 iter_args(%while3A_35 = %while3A_23) -> (i32)  : i32 {
      %mul3A_36 = arith.constant 32 : i32
      %mul3A_37 = arith.muli %while3A_34, %mul3A_36 : i32
      %add3A_38 = arith.addi %add3A, %mul3A_37 : i32
      %mul3A_39 = arith.constant 200 : i32
      %mul3A_40 = arith.muli %add3A_38, %mul3A_39 : i32
      %mul3A_41 = arith.constant 128 : i32
      %mul3A_42 = arith.muli %mul3A_40, %mul3A_41 : i32
      "tpu.region"() ({
        %run_scoped3A = tpu.sem_alloc : memref<!tpu.dma_semaphore, #tpu.memory_space<semaphore_mem>>
        %dma_start3A = tpu.memref_slice %arg2[%mul3A_42] : memref<64000000xf32, #tpu.memory_space<hbm>> -> memref<25600xf32, #tpu.memory_space<hbm>>
        %dma_start3A_50 = tpu.memref_slice %arg2[%mul3A_42] : memref<64000000xf32, #tpu.memory_space<hbm>> -> memref<25600xf32, #tpu.memory_space<hbm>>
        tpu.enqueue_dma source(%dma_start3A_50 : memref<25600xf32, #tpu.memory_space<hbm>>) target(%arg6 : memref<25600xf32, #tpu.memory_space<vmem>>) target_semaphore(%run_scoped3A : memref<!tpu.dma_semaphore, #tpu.memory_space<semaphore_mem>>)
        %dma_wait3A = tpu.memref_slice %arg2[%mul3A_42] : memref<64000000xf32, #tpu.memory_space<hbm>> -> memref<25600xf32, #tpu.memory_space<hbm>>
        %dma_wait3A_51 = tpu.memref_slice %arg2[%mul3A_42] : memref<64000000xf32, #tpu.memory_space<hbm>> -> memref<25600xf32, #tpu.memory_space<hbm>>
        tpu.wait_dma2 semaphore(%run_scoped3A : memref<!tpu.dma_semaphore, #tpu.memory_space<semaphore_mem>>) src(%dma_wait3A_51 : memref<25600xf32, #tpu.memory_space<hbm>>) dst(%arg6 : memref<25600xf32, #tpu.memory_space<vmem>>)
        tpu.yield
      }) : () -> ()
      "tpu.region"() ({
        %run_scoped3A = tpu.sem_alloc : memref<!tpu.dma_semaphore, #tpu.memory_space<semaphore_mem>>
        %dma_start3A = tpu.memref_slice %arg3[%mul3A_40] : memref<500000xi32, #tpu.memory_space<hbm>> -> memref<200xi32, #tpu.memory_space<hbm>>
        %dma_start3A_50 = tpu.memref_slice %arg3[%mul3A_40] : memref<500000xi32, #tpu.memory_space<hbm>> -> memref<200xi32, #tpu.memory_space<hbm>>
        tpu.enqueue_dma source(%dma_start3A_50 : memref<200xi32, #tpu.memory_space<hbm>>) target(%arg8 : memref<200xi32, #tpu.memory_space<vmem>>) target_semaphore(%run_scoped3A : memref<!tpu.dma_semaphore, #tpu.memory_space<semaphore_mem>>)
        %dma_wait3A = tpu.memref_slice %arg3[%mul3A_40] : memref<500000xi32, #tpu.memory_space<hbm>> -> memref<200xi32, #tpu.memory_space<hbm>>
        %dma_wait3A_51 = tpu.memref_slice %arg3[%mul3A_40] : memref<500000xi32, #tpu.memory_space<hbm>> -> memref<200xi32, #tpu.memory_space<hbm>>
        tpu.wait_dma2 semaphore(%run_scoped3A : memref<!tpu.dma_semaphore, #tpu.memory_space<semaphore_mem>>) src(%dma_wait3A_51 : memref<200xi32, #tpu.memory_space<hbm>>) dst(%arg8 : memref<200xi32, #tpu.memory_space<vmem>>)
        tpu.yield
      }) : () -> ()
      %scan3A = arith.constant 0 : i32
      %scan3A_43 = arith.constant 0 : i32
      %scan3A_44 = arith.constant 200 : i32
      %scan3A_45 = arith.addi %scan3A_43, %scan3A_44 : i32
      %scan3A_46 = arith.constant 1 : i32
      %scan3A_47 = scf.for %scan3A_50 = %scan3A_43 to %scan3A_45 step %scan3A_46 iter_args(%scan3A_51 = %scan3A) -> (i32)  : i32 {
        %broadcast_in_dim3A = vector.broadcast %scan3A_50 : i32 to vector<16xi32>
        %gather3A = tpu.vector_load_idx %arg8[%broadcast_in_dim3A] : memref<200xi32, #tpu.memory_space<vmem>>[vector<16xi32>], vector<16xi32>,
        %mul3A_52 = arith.constant 128 : i32
        %mul3A_53 = vector.broadcast %mul3A_52 : i32 to vector<16xi32>
        %mul3A_54 = arith.muli %gather3A, %mul3A_53 : vector<16xi32>
        %add3A_55 = arith.addi %mul3A_54, %iota3A : vector<16xi32>
        %mul3A_56 = arith.constant 128 : i32
        %mul3A_57 = arith.muli %scan3A_50, %mul3A_56 : i32
        %add3A_58 = arith.constant 0 : i32
        %add3A_59 = vector.broadcast %add3A_58 : i32 to vector<16xi32>
        %add3A_60 = arith.addi %add3A_55, %add3A_59 : vector<16xi32>
        %gather3A_61 = tpu.vector_load_idx %arg9[%add3A_60] : memref<2048xf32, #tpu.memory_space<vmem>>[vector<16xi32>], vector<16xf32>,
        %add3A_62 = arith.constant 0 : i32
        %add3A_63 = arith.addi %mul3A_57, %add3A_62 : i32
        %get3A = arith.index_cast %add3A_63 : i32 to index
        %get3A_64 = tpu.vector_load %arg6[%get3A] {strides = array<i32>} : memref<25600xf32, #tpu.memory_space<vmem>>, vector<16xf32>,
        %mul3A_65 = arith.mulf %get3A_64, %gather3A_61 : vector<16xf32>
        %add3A_66 = arith.constant 0 : i32
        %add3A_67 = arith.addi %mul3A_57, %add3A_66 : i32
        %swap3A = arith.index_cast %add3A_67 : i32 to index
        %swap3A_68 = tpu.vector_load %arg7[%swap3A] {strides = array<i32>} : memref<25600xf32, #tpu.memory_space<vmem>>, vector<16xf32>,
        tpu.vector_store %arg7[%swap3A], %mul3A_65 {strides = array<i32>} : memref<25600xf32, #tpu.memory_space<vmem>>, vector<16xf32>,
        %add3A_69 = arith.constant 16 : i32
        %add3A_70 = vector.broadcast %add3A_69 : i32 to vector<16xi32>
        %add3A_71 = arith.addi %add3A_55, %add3A_70 : vector<16xi32>
        %gather3A_72 = tpu.vector_load_idx %arg9[%add3A_71] : memref<2048xf32, #tpu.memory_space<vmem>>[vector<16xi32>], vector<16xf32>,
        %add3A_73 = arith.constant 16 : i32
        %add3A_74 = arith.addi %mul3A_57, %add3A_73 : i32
        %get3A_75 = arith.index_cast %add3A_74 : i32 to index
        %get3A_76 = tpu.vector_load %arg6[%get3A_75] {strides = array<i32>} : memref<25600xf32, #tpu.memory_space<vmem>>, vector<16xf32>,
        %mul3A_77 = arith.mulf %get3A_76, %gather3A_72 : vector<16xf32>
        %add3A_78 = arith.constant 16 : i32
        %add3A_79 = arith.addi %mul3A_57, %add3A_78 : i32
        %swap3A_80 = arith.index_cast %add3A_79 : i32 to index
        %swap3A_81 = tpu.vector_load %arg7[%swap3A_80] {strides = array<i32>} : memref<25600xf32, #tpu.memory_space<vmem>>, vector<16xf32>,
        tpu.vector_store %arg7[%swap3A_80], %mul3A_77 {strides = array<i32>} : memref<25600xf32, #tpu.memory_space<vmem>>, vector<16xf32>,
        %add3A_82 = arith.constant 32 : i32
        %add3A_83 = vector.broadcast %add3A_82 : i32 to vector<16xi32>
        %add3A_84 = arith.addi %add3A_55, %add3A_83 : vector<16xi32>
        %gather3A_85 = tpu.vector_load_idx %arg9[%add3A_84] : memref<2048xf32, #tpu.memory_space<vmem>>[vector<16xi32>], vector<16xf32>,
        %add3A_86 = arith.constant 32 : i32
        %add3A_87 = arith.addi %mul3A_57, %add3A_86 : i32
        %get3A_88 = arith.index_cast %add3A_87 : i32 to index
        %get3A_89 = tpu.vector_load %arg6[%get3A_88] {strides = array<i32>} : memref<25600xf32, #tpu.memory_space<vmem>>, vector<16xf32>,
        %mul3A_90 = arith.mulf %get3A_89, %gather3A_85 : vector<16xf32>
        %add3A_91 = arith.constant 32 : i32
        %add3A_92 = arith.addi %mul3A_57, %add3A_91 : i32
        %swap3A_93 = arith.index_cast %add3A_92 : i32 to index
        %swap3A_94 = tpu.vector_load %arg7[%swap3A_93] {strides = array<i32>} : memref<25600xf32, #tpu.memory_space<vmem>>, vector<16xf32>,
        tpu.vector_store %arg7[%swap3A_93], %mul3A_90 {strides = array<i32>} : memref<25600xf32, #tpu.memory_space<vmem>>, vector<16xf32>,
        %add3A_95 = arith.constant 48 : i32
        %add3A_96 = vector.broadcast %add3A_95 : i32 to vector<16xi32>
        %add3A_97 = arith.addi %add3A_55, %add3A_96 : vector<16xi32>
        %gather3A_98 = tpu.vector_load_idx %arg9[%add3A_97] : memref<2048xf32, #tpu.memory_space<vmem>>[vector<16xi32>], vector<16xf32>,
        %add3A_99 = arith.constant 48 : i32
        %add3A_100 = arith.addi %mul3A_57, %add3A_99 : i32
        %get3A_101 = arith.index_cast %add3A_100 : i32 to index
        %get3A_102 = tpu.vector_load %arg6[%get3A_101] {strides = array<i32>} : memref<25600xf32, #tpu.memory_space<vmem>>, vector<16xf32>,
        %mul3A_103 = arith.mulf %get3A_102, %gather3A_98 : vector<16xf32>
        %add3A_104 = arith.constant 48 : i32
        %add3A_105 = arith.addi %mul3A_57, %add3A_104 : i32
        %swap3A_106 = arith.index_cast %add3A_105 : i32 to index
        %swap3A_107 = tpu.vector_load %arg7[%swap3A_106] {strides = array<i32>} : memref<25600xf32, #tpu.memory_space<vmem>>, vector<16xf32>,
        tpu.vector_store %arg7[%swap3A_106], %mul3A_103 {strides = array<i32>} : memref<25600xf32, #tpu.memory_space<vmem>>, vector<16xf32>,
        %add3A_108 = arith.constant 64 : i32
        %add3A_109 = vector.broadcast %add3A_108 : i32 to vector<16xi32>
        %add3A_110 = arith.addi %add3A_55, %add3A_109 : vector<16xi32>
        %gather3A_111 = tpu.vector_load_idx %arg9[%add3A_110] : memref<2048xf32, #tpu.memory_space<vmem>>[vector<16xi32>], vector<16xf32>,
        %add3A_112 = arith.constant 64 : i32
        %add3A_113 = arith.addi %mul3A_57, %add3A_112 : i32
        %get3A_114 = arith.index_cast %add3A_113 : i32 to index
        %get3A_115 = tpu.vector_load %arg6[%get3A_114] {strides = array<i32>} : memref<25600xf32, #tpu.memory_space<vmem>>, vector<16xf32>,
        %mul3A_116 = arith.mulf %get3A_115, %gather3A_111 : vector<16xf32>
        %add3A_117 = arith.constant 64 : i32
        %add3A_118 = arith.addi %mul3A_57, %add3A_117 : i32
        %swap3A_119 = arith.index_cast %add3A_118 : i32 to index
        %swap3A_120 = tpu.vector_load %arg7[%swap3A_119] {strides = array<i32>} : memref<25600xf32, #tpu.memory_space<vmem>>, vector<16xf32>,
        tpu.vector_store %arg7[%swap3A_119], %mul3A_116 {strides = array<i32>} : memref<25600xf32, #tpu.memory_space<vmem>>, vector<16xf32>,
        %add3A_121 = arith.constant 80 : i32
        %add3A_122 = vector.broadcast %add3A_121 : i32 to vector<16xi32>
        %add3A_123 = arith.addi %add3A_55, %add3A_122 : vector<16xi32>
        %gather3A_124 = tpu.vector_load_idx %arg9[%add3A_123] : memref<2048xf32, #tpu.memory_space<vmem>>[vector<16xi32>], vector<16xf32>,
        %add3A_125 = arith.constant 80 : i32
        %add3A_126 = arith.addi %mul3A_57, %add3A_125 : i32
        %get3A_127 = arith.index_cast %add3A_126 : i32 to index
        %get3A_128 = tpu.vector_load %arg6[%get3A_127] {strides = array<i32>} : memref<25600xf32, #tpu.memory_space<vmem>>, vector<16xf32>,
        %mul3A_129 = arith.mulf %get3A_128, %gather3A_124 : vector<16xf32>
        %add3A_130 = arith.constant 80 : i32
        %add3A_131 = arith.addi %mul3A_57, %add3A_130 : i32
        %swap3A_132 = arith.index_cast %add3A_131 : i32 to index
        %swap3A_133 = tpu.vector_load %arg7[%swap3A_132] {strides = array<i32>} : memref<25600xf32, #tpu.memory_space<vmem>>, vector<16xf32>,
        tpu.vector_store %arg7[%swap3A_132], %mul3A_129 {strides = array<i32>} : memref<25600xf32, #tpu.memory_space<vmem>>, vector<16xf32>,
        %add3A_134 = arith.constant 96 : i32
        %add3A_135 = vector.broadcast %add3A_134 : i32 to vector<16xi32>
        %add3A_136 = arith.addi %add3A_55, %add3A_135 : vector<16xi32>
        %gather3A_137 = tpu.vector_load_idx %arg9[%add3A_136] : memref<2048xf32, #tpu.memory_space<vmem>>[vector<16xi32>], vector<16xf32>,
        %add3A_138 = arith.constant 96 : i32
        %add3A_139 = arith.addi %mul3A_57, %add3A_138 : i32
        %get3A_140 = arith.index_cast %add3A_139 : i32 to index
        %get3A_141 = tpu.vector_load %arg6[%get3A_140] {strides = array<i32>} : memref<25600xf32, #tpu.memory_space<vmem>>, vector<16xf32>,
        %mul3A_142 = arith.mulf %get3A_141, %gather3A_137 : vector<16xf32>
        %add3A_143 = arith.constant 96 : i32
        %add3A_144 = arith.addi %mul3A_57, %add3A_143 : i32
        %swap3A_145 = arith.index_cast %add3A_144 : i32 to index
        %swap3A_146 = tpu.vector_load %arg7[%swap3A_145] {strides = array<i32>} : memref<25600xf32, #tpu.memory_space<vmem>>, vector<16xf32>,
        tpu.vector_store %arg7[%swap3A_145], %mul3A_142 {strides = array<i32>} : memref<25600xf32, #tpu.memory_space<vmem>>, vector<16xf32>,
        %add3A_147 = arith.constant 112 : i32
        %add3A_148 = vector.broadcast %add3A_147 : i32 to vector<16xi32>
        %add3A_149 = arith.addi %add3A_55, %add3A_148 : vector<16xi32>
        %gather3A_150 = tpu.vector_load_idx %arg9[%add3A_149] : memref<2048xf32, #tpu.memory_space<vmem>>[vector<16xi32>], vector<16xf32>,
        %add3A_151 = arith.constant 112 : i32
        %add3A_152 = arith.addi %mul3A_57, %add3A_151 : i32
        %get3A_153 = arith.index_cast %add3A_152 : i32 to index
        %get3A_154 = tpu.vector_load %arg6[%get3A_153] {strides = array<i32>} : memref<25600xf32, #tpu.memory_space<vmem>>, vector<16xf32>,
        %mul3A_155 = arith.mulf %get3A_154, %gather3A_150 : vector<16xf32>
        %add3A_156 = arith.constant 112 : i32
        %add3A_157 = arith.addi %mul3A_57, %add3A_156 : i32
        %swap3A_158 = arith.index_cast %add3A_157 : i32 to index
        %swap3A_159 = tpu.vector_load %arg7[%swap3A_158] {strides = array<i32>} : memref<25600xf32, #tpu.memory_space<vmem>>, vector<16xf32>,
        tpu.vector_store %arg7[%swap3A_158], %mul3A_155 {strides = array<i32>} : memref<25600xf32, #tpu.memory_space<vmem>>, vector<16xf32>,
        %scan3A_160 = arith.constant 0 : i32
        scf.yield %scan3A_160 : i32
      }
      %scan3A_48 = arith.constant 200 : i32
      "tpu.region"() ({
        %run_scoped3A = tpu.sem_alloc : memref<!tpu.dma_semaphore, #tpu.memory_space<semaphore_mem>>
        %dma_start3A = tpu.memref_slice %arg5[%mul3A_42] : memref<64000000xf32, #tpu.memory_space<hbm>> -> memref<25600xf32, #tpu.memory_space<hbm>>
        %dma_start3A_50 = tpu.memref_slice %arg5[%mul3A_42] : memref<64000000xf32, #tpu.memory_space<hbm>> -> memref<25600xf32, #tpu.memory_space<hbm>>
        tpu.enqueue_dma source(%arg7 : memref<25600xf32, #tpu.memory_space<vmem>>) target(%dma_start3A_50 : memref<25600xf32, #tpu.memory_space<hbm>>) target_semaphore(%run_scoped3A : memref<!tpu.dma_semaphore, #tpu.memory_space<semaphore_mem>>)
        %dma_wait3A = tpu.memref_slice %arg5[%mul3A_42] : memref<64000000xf32, #tpu.memory_space<hbm>> -> memref<25600xf32, #tpu.memory_space<hbm>>
        %dma_wait3A_51 = tpu.memref_slice %arg5[%mul3A_42] : memref<64000000xf32, #tpu.memory_space<hbm>> -> memref<25600xf32, #tpu.memory_space<hbm>>
        tpu.wait_dma2 semaphore(%run_scoped3A : memref<!tpu.dma_semaphore, #tpu.memory_space<semaphore_mem>>) src(%arg7 : memref<25600xf32, #tpu.memory_space<vmem>>) dst(%dma_wait3A_51 : memref<25600xf32, #tpu.memory_space<hbm>>)
        tpu.yield
      }) : () -> ()
      %while3A_49 = arith.constant 0 : i32
      scf.yield %while3A_49 : i32
    }
    %while3A_32 = arith.constant 1 : i32
    %while3A_33 = scf.for %while3A_34 = %while3A_29 to %while3A_25 step %while3A_32 iter_args(%while3A_35 = %while3A_31) -> (i32)  : i32 {
      %mul3A_36 = arith.constant 32 : i32
      %mul3A_37 = arith.muli %while3A_34, %mul3A_36 : i32
      %add3A_38 = arith.addi %add3A, %mul3A_37 : i32
      %mul3A_39 = arith.constant 200 : i32
      %mul3A_40 = arith.muli %add3A_38, %mul3A_39 : i32
      %mul3A_41 = arith.constant 128 : i32
      %mul3A_42 = arith.muli %mul3A_40, %mul3A_41 : i32
      "tpu.region"() ({
        %run_scoped3A = tpu.sem_alloc : memref<!tpu.dma_semaphore, #tpu.memory_space<semaphore_mem>>
        %dma_start3A = tpu.memref_slice %arg2[%mul3A_42] : memref<64000000xf32, #tpu.memory_space<hbm>> -> memref<25600xf32, #tpu.memory_space<hbm>>
        %dma_start3A_50 = tpu.memref_slice %arg2[%mul3A_42] : memref<64000000xf32, #tpu.memory_space<hbm>> -> memref<25600xf32, #tpu.memory_space<hbm>>
        tpu.enqueue_dma source(%dma_start3A_50 : memref<25600xf32, #tpu.memory_space<hbm>>) target(%arg6 : memref<25600xf32, #tpu.memory_space<vmem>>) target_semaphore(%run_scoped3A : memref<!tpu.dma_semaphore, #tpu.memory_space<semaphore_mem>>)
        %dma_wait3A = tpu.memref_slice %arg2[%mul3A_42] : memref<64000000xf32, #tpu.memory_space<hbm>> -> memref<25600xf32, #tpu.memory_space<hbm>>
        %dma_wait3A_51 = tpu.memref_slice %arg2[%mul3A_42] : memref<64000000xf32, #tpu.memory_space<hbm>> -> memref<25600xf32, #tpu.memory_space<hbm>>
        tpu.wait_dma2 semaphore(%run_scoped3A : memref<!tpu.dma_semaphore, #tpu.memory_space<semaphore_mem>>) src(%dma_wait3A_51 : memref<25600xf32, #tpu.memory_space<hbm>>) dst(%arg6 : memref<25600xf32, #tpu.memory_space<vmem>>)
        tpu.yield
      }) : () -> ()
      "tpu.region"() ({
        %run_scoped3A = tpu.sem_alloc : memref<!tpu.dma_semaphore, #tpu.memory_space<semaphore_mem>>
        %dma_start3A = tpu.memref_slice %arg3[%mul3A_40] : memref<500000xi32, #tpu.memory_space<hbm>> -> memref<200xi32, #tpu.memory_space<hbm>>
        %dma_start3A_50 = tpu.memref_slice %arg3[%mul3A_40] : memref<500000xi32, #tpu.memory_space<hbm>> -> memref<200xi32, #tpu.memory_space<hbm>>
        tpu.enqueue_dma source(%dma_start3A_50 : memref<200xi32, #tpu.memory_space<hbm>>) target(%arg8 : memref<200xi32, #tpu.memory_space<vmem>>) target_semaphore(%run_scoped3A : memref<!tpu.dma_semaphore, #tpu.memory_space<semaphore_mem>>)
        %dma_wait3A = tpu.memref_slice %arg3[%mul3A_40] : memref<500000xi32, #tpu.memory_space<hbm>> -> memref<200xi32, #tpu.memory_space<hbm>>
        %dma_wait3A_51 = tpu.memref_slice %arg3[%mul3A_40] : memref<500000xi32, #tpu.memory_space<hbm>> -> memref<200xi32, #tpu.memory_space<hbm>>
        tpu.wait_dma2 semaphore(%run_scoped3A : memref<!tpu.dma_semaphore, #tpu.memory_space<semaphore_mem>>) src(%dma_wait3A_51 : memref<200xi32, #tpu.memory_space<hbm>>) dst(%arg8 : memref<200xi32, #tpu.memory_space<vmem>>)
        tpu.yield
      }) : () -> ()
      %scan3A = arith.constant 0 : i32
      %scan3A_43 = arith.constant 0 : i32
      %scan3A_44 = arith.constant 200 : i32
      %scan3A_45 = arith.addi %scan3A_43, %scan3A_44 : i32
      %scan3A_46 = arith.constant 1 : i32
      %scan3A_47 = scf.for %scan3A_50 = %scan3A_43 to %scan3A_45 step %scan3A_46 iter_args(%scan3A_51 = %scan3A) -> (i32)  : i32 {
        %broadcast_in_dim3A = vector.broadcast %scan3A_50 : i32 to vector<16xi32>
        %gather3A = tpu.vector_load_idx %arg8[%broadcast_in_dim3A] : memref<200xi32, #tpu.memory_space<vmem>>[vector<16xi32>], vector<16xi32>,
        %mul3A_52 = arith.constant 128 : i32
        %mul3A_53 = vector.broadcast %mul3A_52 : i32 to vector<16xi32>
        %mul3A_54 = arith.muli %gather3A, %mul3A_53 : vector<16xi32>
        %add3A_55 = arith.addi %mul3A_54, %iota3A : vector<16xi32>
        %mul3A_56 = arith.constant 128 : i32
        %mul3A_57 = arith.muli %scan3A_50, %mul3A_56 : i32
        %add3A_58 = arith.constant 0 : i32
        %add3A_59 = vector.broadcast %add3A_58 : i32 to vector<16xi32>
        %add3A_60 = arith.addi %add3A_55, %add3A_59 : vector<16xi32>
        %gather3A_61 = tpu.vector_load_idx %arg9[%add3A_60] : memref<2048xf32, #tpu.memory_space<vmem>>[vector<16xi32>], vector<16xf32>,
        %add3A_62 = arith.constant 0 : i32
        %add3A_63 = arith.addi %mul3A_57, %add3A_62 : i32
        %get3A = arith.index_cast %add3A_63 : i32 to index
        %get3A_64 = tpu.vector_load %arg6[%get3A] {strides = array<i32>} : memref<25600xf32, #tpu.memory_space<vmem>>, vector<16xf32>,
        %mul3A_65 = arith.mulf %get3A_64, %gather3A_61 : vector<16xf32>
        %add3A_66 = arith.constant 0 : i32
        %add3A_67 = arith.addi %mul3A_57, %add3A_66 : i32
        %swap3A = arith.index_cast %add3A_67 : i32 to index
        %swap3A_68 = tpu.vector_load %arg7[%swap3A] {strides = array<i32>} : memref<25600xf32, #tpu.memory_space<vmem>>, vector<16xf32>,
        tpu.vector_store %arg7[%swap3A], %mul3A_65 {strides = array<i32>} : memref<25600xf32, #tpu.memory_space<vmem>>, vector<16xf32>,
        %add3A_69 = arith.constant 16 : i32
        %add3A_70 = vector.broadcast %add3A_69 : i32 to vector<16xi32>
        %add3A_71 = arith.addi %add3A_55, %add3A_70 : vector<16xi32>
        %gather3A_72 = tpu.vector_load_idx %arg9[%add3A_71] : memref<2048xf32, #tpu.memory_space<vmem>>[vector<16xi32>], vector<16xf32>,
        %add3A_73 = arith.constant 16 : i32
        %add3A_74 = arith.addi %mul3A_57, %add3A_73 : i32
        %get3A_75 = arith.index_cast %add3A_74 : i32 to index
        %get3A_76 = tpu.vector_load %arg6[%get3A_75] {strides = array<i32>} : memref<25600xf32, #tpu.memory_space<vmem>>, vector<16xf32>,
        %mul3A_77 = arith.mulf %get3A_76, %gather3A_72 : vector<16xf32>
        %add3A_78 = arith.constant 16 : i32
        %add3A_79 = arith.addi %mul3A_57, %add3A_78 : i32
        %swap3A_80 = arith.index_cast %add3A_79 : i32 to index
        %swap3A_81 = tpu.vector_load %arg7[%swap3A_80] {strides = array<i32>} : memref<25600xf32, #tpu.memory_space<vmem>>, vector<16xf32>,
        tpu.vector_store %arg7[%swap3A_80], %mul3A_77 {strides = array<i32>} : memref<25600xf32, #tpu.memory_space<vmem>>, vector<16xf32>,
        %add3A_82 = arith.constant 32 : i32
        %add3A_83 = vector.broadcast %add3A_82 : i32 to vector<16xi32>
        %add3A_84 = arith.addi %add3A_55, %add3A_83 : vector<16xi32>
        %gather3A_85 = tpu.vector_load_idx %arg9[%add3A_84] : memref<2048xf32, #tpu.memory_space<vmem>>[vector<16xi32>], vector<16xf32>,
        %add3A_86 = arith.constant 32 : i32
        %add3A_87 = arith.addi %mul3A_57, %add3A_86 : i32
        %get3A_88 = arith.index_cast %add3A_87 : i32 to index
        %get3A_89 = tpu.vector_load %arg6[%get3A_88] {strides = array<i32>} : memref<25600xf32, #tpu.memory_space<vmem>>, vector<16xf32>,
        %mul3A_90 = arith.mulf %get3A_89, %gather3A_85 : vector<16xf32>
        %add3A_91 = arith.constant 32 : i32
        %add3A_92 = arith.addi %mul3A_57, %add3A_91 : i32
        %swap3A_93 = arith.index_cast %add3A_92 : i32 to index
        %swap3A_94 = tpu.vector_load %arg7[%swap3A_93] {strides = array<i32>} : memref<25600xf32, #tpu.memory_space<vmem>>, vector<16xf32>,
        tpu.vector_store %arg7[%swap3A_93], %mul3A_90 {strides = array<i32>} : memref<25600xf32, #tpu.memory_space<vmem>>, vector<16xf32>,
        %add3A_95 = arith.constant 48 : i32
        %add3A_96 = vector.broadcast %add3A_95 : i32 to vector<16xi32>
        %add3A_97 = arith.addi %add3A_55, %add3A_96 : vector<16xi32>
        %gather3A_98 = tpu.vector_load_idx %arg9[%add3A_97] : memref<2048xf32, #tpu.memory_space<vmem>>[vector<16xi32>], vector<16xf32>,
        %add3A_99 = arith.constant 48 : i32
        %add3A_100 = arith.addi %mul3A_57, %add3A_99 : i32
        %get3A_101 = arith.index_cast %add3A_100 : i32 to index
        %get3A_102 = tpu.vector_load %arg6[%get3A_101] {strides = array<i32>} : memref<25600xf32, #tpu.memory_space<vmem>>, vector<16xf32>,
        %mul3A_103 = arith.mulf %get3A_102, %gather3A_98 : vector<16xf32>
        %add3A_104 = arith.constant 48 : i32
        %add3A_105 = arith.addi %mul3A_57, %add3A_104 : i32
        %swap3A_106 = arith.index_cast %add3A_105 : i32 to index
        %swap3A_107 = tpu.vector_load %arg7[%swap3A_106] {strides = array<i32>} : memref<25600xf32, #tpu.memory_space<vmem>>, vector<16xf32>,
        tpu.vector_store %arg7[%swap3A_106], %mul3A_103 {strides = array<i32>} : memref<25600xf32, #tpu.memory_space<vmem>>, vector<16xf32>,
        %add3A_108 = arith.constant 64 : i32
        %add3A_109 = vector.broadcast %add3A_108 : i32 to vector<16xi32>
        %add3A_110 = arith.addi %add3A_55, %add3A_109 : vector<16xi32>
        %gather3A_111 = tpu.vector_load_idx %arg9[%add3A_110] : memref<2048xf32, #tpu.memory_space<vmem>>[vector<16xi32>], vector<16xf32>,
        %add3A_112 = arith.constant 64 : i32
        %add3A_113 = arith.addi %mul3A_57, %add3A_112 : i32
        %get3A_114 = arith.index_cast %add3A_113 : i32 to index
        %get3A_115 = tpu.vector_load %arg6[%get3A_114] {strides = array<i32>} : memref<25600xf32, #tpu.memory_space<vmem>>, vector<16xf32>,
        %mul3A_116 = arith.mulf %get3A_115, %gather3A_111 : vector<16xf32>
        %add3A_117 = arith.constant 64 : i32
        %add3A_118 = arith.addi %mul3A_57, %add3A_117 : i32
        %swap3A_119 = arith.index_cast %add3A_118 : i32 to index
        %swap3A_120 = tpu.vector_load %arg7[%swap3A_119] {strides = array<i32>} : memref<25600xf32, #tpu.memory_space<vmem>>, vector<16xf32>,
        tpu.vector_store %arg7[%swap3A_119], %mul3A_116 {strides = array<i32>} : memref<25600xf32, #tpu.memory_space<vmem>>, vector<16xf32>,
        %add3A_121 = arith.constant 80 : i32
        %add3A_122 = vector.broadcast %add3A_121 : i32 to vector<16xi32>
        %add3A_123 = arith.addi %add3A_55, %add3A_122 : vector<16xi32>
        %gather3A_124 = tpu.vector_load_idx %arg9[%add3A_123] : memref<2048xf32, #tpu.memory_space<vmem>>[vector<16xi32>], vector<16xf32>,
        %add3A_125 = arith.constant 80 : i32
        %add3A_126 = arith.addi %mul3A_57, %add3A_125 : i32
        %get3A_127 = arith.index_cast %add3A_126 : i32 to index
        %get3A_128 = tpu.vector_load %arg6[%get3A_127] {strides = array<i32>} : memref<25600xf32, #tpu.memory_space<vmem>>, vector<16xf32>,
        %mul3A_129 = arith.mulf %get3A_128, %gather3A_124 : vector<16xf32>
        %add3A_130 = arith.constant 80 : i32
        %add3A_131 = arith.addi %mul3A_57, %add3A_130 : i32
        %swap3A_132 = arith.index_cast %add3A_131 : i32 to index
        %swap3A_133 = tpu.vector_load %arg7[%swap3A_132] {strides = array<i32>} : memref<25600xf32, #tpu.memory_space<vmem>>, vector<16xf32>,
        tpu.vector_store %arg7[%swap3A_132], %mul3A_129 {strides = array<i32>} : memref<25600xf32, #tpu.memory_space<vmem>>, vector<16xf32>,
        %add3A_134 = arith.constant 96 : i32
        %add3A_135 = vector.broadcast %add3A_134 : i32 to vector<16xi32>
        %add3A_136 = arith.addi %add3A_55, %add3A_135 : vector<16xi32>
        %gather3A_137 = tpu.vector_load_idx %arg9[%add3A_136] : memref<2048xf32, #tpu.memory_space<vmem>>[vector<16xi32>], vector<16xf32>,
        %add3A_138 = arith.constant 96 : i32
        %add3A_139 = arith.addi %mul3A_57, %add3A_138 : i32
        %get3A_140 = arith.index_cast %add3A_139 : i32 to index
        %get3A_141 = tpu.vector_load %arg6[%get3A_140] {strides = array<i32>} : memref<25600xf32, #tpu.memory_space<vmem>>, vector<16xf32>,
        %mul3A_142 = arith.mulf %get3A_141, %gather3A_137 : vector<16xf32>
        %add3A_143 = arith.constant 96 : i32
        %add3A_144 = arith.addi %mul3A_57, %add3A_143 : i32
        %swap3A_145 = arith.index_cast %add3A_144 : i32 to index
        %swap3A_146 = tpu.vector_load %arg7[%swap3A_145] {strides = array<i32>} : memref<25600xf32, #tpu.memory_space<vmem>>, vector<16xf32>,
        tpu.vector_store %arg7[%swap3A_145], %mul3A_142 {strides = array<i32>} : memref<25600xf32, #tpu.memory_space<vmem>>, vector<16xf32>,
        %add3A_147 = arith.constant 112 : i32
        %add3A_148 = vector.broadcast %add3A_147 : i32 to vector<16xi32>
        %add3A_149 = arith.addi %add3A_55, %add3A_148 : vector<16xi32>
        %gather3A_150 = tpu.vector_load_idx %arg9[%add3A_149] : memref<2048xf32, #tpu.memory_space<vmem>>[vector<16xi32>], vector<16xf32>,
        %add3A_151 = arith.constant 112 : i32
        %add3A_152 = arith.addi %mul3A_57, %add3A_151 : i32
        %get3A_153 = arith.index_cast %add3A_152 : i32 to index
        %get3A_154 = tpu.vector_load %arg6[%get3A_153] {strides = array<i32>} : memref<25600xf32, #tpu.memory_space<vmem>>, vector<16xf32>,
        %mul3A_155 = arith.mulf %get3A_154, %gather3A_150 : vector<16xf32>
        %add3A_156 = arith.constant 112 : i32
        %add3A_157 = arith.addi %mul3A_57, %add3A_156 : i32
        %swap3A_158 = arith.index_cast %add3A_157 : i32 to index
        %swap3A_159 = tpu.vector_load %arg7[%swap3A_158] {strides = array<i32>} : memref<25600xf32, #tpu.memory_space<vmem>>, vector<16xf32>,
        tpu.vector_store %arg7[%swap3A_158], %mul3A_155 {strides = array<i32>} : memref<25600xf32, #tpu.memory_space<vmem>>, vector<16xf32>,
        %scan3A_160 = arith.constant 0 : i32
        scf.yield %scan3A_160 : i32
      }
      %scan3A_48 = arith.constant 200 : i32
      "tpu.region"() ({
        %run_scoped3A = tpu.sem_alloc : memref<!tpu.dma_semaphore, #tpu.memory_space<semaphore_mem>>
        %dma_start3A = tpu.memref_slice %arg5[%mul3A_42] : memref<64000000xf32, #tpu.memory_space<hbm>> -> memref<25600xf32, #tpu.memory_space<hbm>>
        %dma_start3A_50 = tpu.memref_slice %arg5[%mul3A_42] : memref<64000000xf32, #tpu.memory_space<hbm>> -> memref<25600xf32, #tpu.memory_space<hbm>>
        tpu.enqueue_dma source(%arg7 : memref<25600xf32, #tpu.memory_space<vmem>>) target(%dma_start3A_50 : memref<25600xf32, #tpu.memory_space<hbm>>) target_semaphore(%run_scoped3A : memref<!tpu.dma_semaphore, #tpu.memory_space<semaphore_mem>>)
        %dma_wait3A = tpu.memref_slice %arg5[%mul3A_42] : memref<64000000xf32, #tpu.memory_space<hbm>> -> memref<25600xf32, #tpu.memory_space<hbm>>
        %dma_wait3A_51 = tpu.memref_slice %arg5[%mul3A_42] : memref<64000000xf32, #tpu.memory_space<hbm>> -> memref<25600xf32, #tpu.memory_space<hbm>>
        tpu.wait_dma2 semaphore(%run_scoped3A : memref<!tpu.dma_semaphore, #tpu.memory_space<semaphore_mem>>) src(%arg7 : memref<25600xf32, #tpu.memory_space<vmem>>) dst(%dma_wait3A_51 : memref<25600xf32, #tpu.memory_space<hbm>>)
        tpu.yield
      }) : () -> ()
      %while3A_49 = arith.constant 0 : i32
      scf.yield %while3A_49 : i32
    }
    return
  }
}

</mosaic_0001>

<sc_bundles>
// kernel: _gml.3.cloned.1.call-start
scs
__scs_entry_jumppad:
0x0: {  	(pc) =	sbr.rel $0x88, $3  }
0x1: {  	(tag) =	ssettag $0x0;
	lr =	simm.s32 $0x1  }
0x2: {  	[smem:$0x3F9E] =	sst lr;
	_ =	strace $0xD0000000  }
0x3: {  	_ = 	snop  }
0x4: {  	_ = 	snop  }
0x5: {  	_ = 	snop  }
0x6: {  	_ = 	snop  }
0x7: {  	_ = 	snop  }
__scs_overlays_trampoline_lowered:
0x8: {  	[smem:$0x3FAD] =	sst s0  }
0x9: {  	[smem:$0x3FAE] =	sst s1  }
0xa: {  	[smem:$0x3FAF] =	sst s2  }
0xb: {  	[smem:$0x3FB0] =	sst s3  }
0xc: {  	[smem:$0x3FB1] =	sst s4  }
0xd: {  	[smem:$0x3FB2] =	sst s5  }
0xe: {  	[smem:$0x3FB3] =	sst s6  }
0xf: {  	[smem:$0x3FB4] =	sst s7  }
0x10: {  	[smem:$0x3FB5] =	sst s8  }
0x11: {  	[smem:$0x3FB6] =	sst s9;
	s0 =	simm.s32 @!p0 $0x0  }
0x12: {  	s1 =	sld [smem:$0x3F9C];
	s0 =	simm.s32 @p0 $0x1  }
0x13: {  	[smem:$0x3FB7] =	sst s0;
	s0 =	simm.s32 @!p1 $0x0  }
0x14: {  	s2 =	sld [smem:$0x3F9B];
	s0 =	simm.s32 @p1 $0x1  }
0x15: {  	[smem:$0x3FB8] =	sst s0;
	s0 =	simm.s32 @!p2 $0x0  }
0x16: {  	s3 =	sld [smem:$0x3FDB];
	s0 =	simm.s32 @p2 $0x1  }
0x17: {  	s4 =	simm.s32 $0x1BF5;
	[smem:$0x3FBA] =	sst s0  }
0x18: {  	s0 =	sld [smem:$0x3F9D];
	_ =	swait.ge [sflag:s4], $0x0  }
0x19: {  	s7 =	sld [smem:$0x3F9E]  }
0x1a: {  	s8 =	sadd.s32 $0xFFFFE003, lr  }
0x1b: {  	s9 =	sadd.s32 $0xFFFFFEF7, lr;
	s5 =	simm.s32 $0xFFFFFFFF;
	p2 =	slt.u32 s8, $0xFFFFF086  }
0x1c: {  	p1 =	slt.u32 s9, $0xF7A;
	s5 =	simm.s32 @!p2 $0x0  }
0x1d: {  	s5 =	simm.s32 @p1 $0x1;
	p0 =	seq.s32 s7, s2  }
0x1e: {  	s7 =	smul.u32 @!p0 $0xF7A, s2;
	p2 =	seq.s32 @!p0 s5, $0x0  }
0x1f: {  	s9 =	smul.u32 $0xF7A, s1;
	s8 =	simm.s32 @!p0 $0x1BF5;
	p2 =	por !p2, p0  }
0x20: {  	[sflag:s8] =	ssyncset.s32 @!p0 $0xFFFFF086;
	s6 =	sadd.s32 @!p0 s3, s7;
	s7 =	simm.s32 @!p0 $0x108  }
0x21: {  	s3 =	sadd.s32 s3, s9;
	s6 =	sadd.s32 @!p0 $0x88, s6;
	s7 =	simm.s32 @p2 $0x1082  }
0x22: {  	[simem:s7], [sflag:s8] =	dma.local @!p0 [hbm:s6], $0xF7A  }
0x23: {  	s9 =	sor.u32 $0xD0000000, s2;
	s6 =	simm.s32 $0x108;
	_ =	swait.ge @!p0 [sflag:s8], $0x0  }
0x24: {  	s3 =	sadd.s32 $0x88, s3;
	s6 =	simm.s32 @!p1 $0x1082;
	[sflag:s4] =	ssyncset.s32 $0xFFFFF086  }
0x25: {  	[simem:s6], [sflag:s4] =	dma.local [hbm:s3], $0xF7A  }
0x26: {  	[smem:$0x3F9E] =	sst s1;
	(tag) =	ssettag s2;
	_ =	strace s9  }
0x27: {  	s1 =	sld [smem:$0x3FAE]  }
0x28: {  	s2 =	sld [smem:$0x3FAF]  }
0x29: {  	s4 =	sld [smem:$0x3FB1]  }
0x2a: {  	p0 =	seq.s32 s5, $0x0;
	s5 =	sld [smem:$0x3FB2]  }
0x2b: {  	s6 =	sld [smem:$0x3FB3]  }
0x2c: {  	s7 =	sld [smem:$0x3FB4]  }
0x2d: {  	s3 =	simm.s32 $0x108;
	s8 =	sld [smem:$0x3FB5]  }
0x2e: {  	s3 =	simm.s32 @!p0 $0x1082;
	s9 =	sld [smem:$0x3FB6]  }
0x2f: {  	lr =	sadd.s32 s0, s3;
	s0 =	sld [smem:$0x3FAD]  }
0x30: {  	s3 =	sld [smem:$0x3FB0]  }
0x31: {  	[smem:$0x3FB9] =	sst s10  }
0x32: {  	s10 =	sld [smem:$0x3FB7];
	_ =	sdelay $0x3  }
0x33: {  	p0 =	seq.s32 s10, $0x1;
	s10 =	sld [smem:$0x3FB9];
	_ =	sdelay $0x3  }
0x34: {  	[smem:$0x3FB9] =	sst s10  }
0x35: {  	s10 =	sld [smem:$0x3FB8];
	_ =	sdelay $0x3  }
0x36: {  	p1 =	seq.s32 s10, $0x1;
	s10 =	sld [smem:$0x3FB9];
	_ =	sdelay $0x3  }
0x37: {  	[smem:$0x3FB9] =	sst s10  }
0x38: {  	s10 =	sld [smem:$0x3FBA]  }
0x39: {  	_ = 	snop;
	(pc) =	sbr.ind lr, $3  }
0x3a: {  	_ = 	snop  }
0x3b: {  	_ = 	snop  }
0x3c: {  	p2 =	seq.s32 s10, $0x1;
	s10 =	sld [smem:$0x3FB9]  }
0x3d: {  	_ =	shalt  }
0x3e: {  	_ =	shalt  }
0x3f: {  	_ =	shalt  }
0x40: {  	_ =	shalt  }
0x41: {  	_ =	shalt  }
0x42: {  	_ =	shalt  }
0x43: {  	_ =	shalt  }
0x44: {  	_ =	shalt  }
0x45: {  	_ =	shalt  }
0x46: {  	_ =	shalt  }
0x47: {  	_ =	shalt  }
0x48: {  	_ =	shalt  }
0x49: {  	_ =	shalt  }
0x4a: {  	_ =	shalt  }
0x4b: {  	_ =	shalt  }
0x4c: {  	_ =	shalt  }
0x4d: {  	_ =	shalt  }
0x4e: {  	_ =	shalt  }
0x4f: {  	_ =	shalt  }
0x50: {  	_ =	shalt  }
0x51: {  	_ =	shalt  }
0x52: {  	_ =	shalt  }
0x53: {  	_ =	shalt  }
0x54: {  	_ =	shalt  }
0x55: {  	_ =	shalt  }
0x56: {  	_ =	shalt  }
0x57: {  	_ =	shalt  }
0x58: {  	_ =	shalt  }
0x59: {  	_ =	shalt  }
0x5a: {  	_ =	shalt  }
0x5b: {  	_ =	shalt  }
0x5c: {  	_ =	shalt  }
0x5d: {  	_ =	shalt  }
0x5e: {  	_ =	shalt  }
0x5f: {  	_ =	shalt  }
0x60: {  	_ =	shalt  }
0x61: {  	_ =	shalt  }
0x62: {  	_ =	shalt  }
0x63: {  	_ =	shalt  }
0x64: {  	_ =	shalt  }
0x65: {  	_ =	shalt  }
0x66: {  	_ =	shalt  }
0x67: {  	_ =	shalt  }
0x68: {  	_ =	shalt  }
0x69: {  	_ =	shalt  }
0x6a: {  	_ =	shalt  }
0x6b: {  	_ =	shalt  }
0x6c: {  	_ =	shalt  }
0x6d: {  	_ =	shalt  }
0x6e: {  	_ =	shalt  }
0x6f: {  	_ =	shalt  }
0x70: {  	_ =	shalt  }
0x71: {  	_ =	shalt  }
0x72: {  	_ =	shalt  }
0x73: {  	_ =	shalt  }
0x74: {  	_ =	shalt  }
0x75: {  	_ =	shalt  }
0x76: {  	_ =	shalt  }
0x77: {  	_ =	shalt  }
0x78: {  	_ =	shalt  }
0x79: {  	_ =	shalt  }
0x7a: {  	_ =	shalt  }
0x7b: {  	_ =	shalt  }
0x7c: {  	_ =	shalt  }
0x7d: {  	_ =	shalt  }
0x7e: {  	_ =	shalt  }
0x7f: {  	_ =	shalt  }
0x80: {  	_ =	shalt  }
0x81: {  	_ =	shalt  }
0x82: {  	_ =	shalt  }
0x83: {  	_ =	shalt  }
0x84: {  	_ =	shalt  }
0x85: {  	_ =	shalt  }
0x86: {  	_ =	shalt  }
0x87: {  	_ =	shalt  }
.Lfunc_end0:
.L_simem_size_0:
called_computation_lowered:
.L_overlay_start_0:
0x88: {  	s2 =	sld [smem:$0x3FD9]  }
0x89: {  	s3 =	sld [smem:$0x3FFE];
	_ =	sdelay $0x1  }
0x8a: {  	s1 =	srdreg.scid  }
0x8b: {  	s0 =	sand.u32 $0x1, s1  }
0x8c: {  	s18 =	sshll.u32 s0, $0xA;
	s2 =	sadd.s32 s3, s2  }
0x8d: {  	s2 =	sadd.s32 s2, s18  }
0x8e: {  	[smem:$0x3FC5] =	sst s2  }
0x8f: {  	_ = 	snop  }
0x90: {  	s2 =	sld [smem:$0x3FC9]  }
0x91: {  	s19 =	sld [smem:$0x3FC8]  }
0x92: {  	s4 =	sld [smem:$0x3FC7]  }
0x93: {  	s5 =	sld [smem:$0x3FD0];
	(tm) =	ssettm $0x1  }
0x94: {  	s6 =	sld [smem:$0x3FFB];
	_ =	sdelay $0x3  }
0x95: {  	_ =	strace s6  }
0x96: {  	s6 =	sld [smem:$0x3FFC];
	_ =	sdelay $0x3  }
0x97: {  	_ =	strace s6  }
0x98: {  	s6 =	sld [smem:$0x3FFD];
	_ =	sdelay $0x3  }
0x99: {  	_ =	strace s6  }
0x9a: {  	_ =	strace $0x8FFFFFFF  }
0x9b: {  	s20 =	sld [smem:$0x3FDB];
	_ =	sdelay $0x1  }
0x9c: {  	s7 =	simm.s32 $_scs_section_size  }
0x9d: {  	s8 =	simm.s32 $_size__tile_overlayer_lowered;
	s9 =	simm.s32 $_tile_overlayer_lowered  }
0x9e: {  	s23 =	simm.s32 $0x1BFF;
	s22 =	sshll.u32 s9, $0x1;
	s6 =	sadd.s32 s7, s20  }
0x9f: {  	s10 =	simm.s32 $0x0;
	s21 =	sshll.u32 s8, $0x1;
	s8 =	sadd.s32 s22, s6  }
0xa0: {  	[timem:s10], [sflag:s23] =	dma.local [hbm:s8], s21  }
0xa1: {  	_ =	swait.ge [sflag:s23], s21  }
0xa2: {  	s7 =	ssub.s32 $0x0, s21;
	[sflag:s23] =	ssyncset.done $0x0  }
0xa3: {  	[sflag:s23] =	ssyncadd.s32 s7;
	_ =	sdelay $0x1  }
0xa4: {  	s24 =	simm.s32 $0x1B8B  }
0xa5: {  	_ =	swait.ge [sflag:s24], $0x1  }
0xa6: {  	[sflag:s24] =	ssyncset.done $0x0  }
0xa7: {  	s25 =	simm.s32 $0x1B8E;
	[sflag:s24] =	ssyncadd.s32 $0xFFFFFFFF  }
0xa8: {  	s26 =	simm.s32 $execute0_lowered;
	[smem:$0x3FD2] =	sst s25  }
0xa9: {  	s7 =	sshll.u32 s26, $0x1;
	_ =	strace $0x80000046;
	[dreg:$0x1] =	wrdreg $0xFFFFFFFF  }
0xaa: {  	s28 =	simm.s32 $_size_execute0_lowered;
	s6 =	sadd.s32 s6, s7;
	[dreg:$0x0] =	wrdreg $0x0  }
0xab: {  	s7 =	sshll.u32 s28, $0x1;
	[dreg:$0x2] =	wrdreg s6  }
0xac: {  	[dreg:$0x3] =	wrdreg s7  }
0xad: {  	[dreg:$0x4] =	wrdreg $0xC0  }
0xae: {  	_ =	task [dreg:s10], $0x5FFFF  }
0xaf: {  	[dreg:$0x1] =	wrdreg $0xFFFFFFFF  }
0xb0: {  	[dreg:$0x0] =	wrdreg $0x60  }
0xb1: {  	[dreg:$0x2] =	wrdreg s2  }
0xb2: {  	[dreg:$0x3] =	wrdreg s19  }
0xb3: {  	[dreg:$0x4] =	wrdreg s4  }
0xb4: {  	[dreg:$0x5] =	wrdreg s5  }
0xb5: {  	[dreg:$0x6] =	wrdreg $0x9  }
0xb6: {  	_ =	task.clear_ibuf [dreg:s10], $0x7FFFF;
	_ =	strace $0x90000046  }
0xb7: {  	s29 =	simm.s32 $0x9;
	_ =	strace $0x80000048  }
0xb8: {  	_ =	swait.ge [sflag:s29], $0x1  }
0xb9: {  	[sflag:s29] =	ssyncadd.s32 $0xFFFFFFFF  }
0xba: {  	_ =	strace $0x90000048  }
0xbb: {  	_ =	sfence  }
0xbc: {  	s30 =	sld [smem:$0x0];
	_ =	sdelay $0x2  }
0xbd: {  	s31 =	sshll.u32 s1, $0xD;
	s1 =	sshrl.u32 s1, $0x2  }
0xbe: {  	s3 =	sand.u32 $0x4000, s31;
	s1 =	sadd.s32 s1, s30  }
0xbf: {  	s0 =	sor.u32 s3, s0;
	s1 =	sshll.u32 s1, $0x11  }
0xc0: {  	s0 =	sor.u32 s1, s0  }
0xc1: {  	s0 =	sadd.s32 $0x8F2B, s0  }
0xc2: {  	[sflag:s0] =	ssyncadd.remote.s32 $0x1  }
0xc3: {  	_ =	sfence.sel $0xFFFF  }
0xc4: {  	[dreg:$0x0] =	wrdreg $0xFFFFFFFF;
	(pc) =	sbr.abs _section_cstart, $3  }
0xc5: {  	[dreg:$0x1] =	wrdreg $0xFFFFFFFF  }
0xc6: {  	_ =	task.clear_ibuf [dreg:s10], $0x2FFFF;
	_ =	strace $0x9FFFFFFF  }
0xc7: {  	(tm) =	ssettm $0x7FFFFFFF  }
tec
execute0_lowered:
.L_overlay_start_1:
0x0: {  	(tag) =	ssettag $0x1  }
0x1: {  	s1 =	rddreg [dreg:$0x0]  }
0x2: {  	s3 =	rddreg [dreg:$0x1]  }
0x3: {  	s4 =	rddreg [dreg:$0x2]  }
0x4: {  	s5 =	rddreg [dreg:$0x3]  }
0x5: {  	s6 =	srdreg.scid;
	s2 =	stileid.u32  }
0x6: {  	s0 =	rddreg [dreg:$0x4];
	s11 =	simm.s32 $0x1;
	s12 =	simm.s32 $0xC800  }
0x7: {  	s13 =	simm.s32 $0x6400;
	s14 =	simm.s32 $0x0;
	s7 =	sand.u32 $0x1, s6  }
0x8: {  	v0 =	vlaneseq.u32;
	s8 =	sshll.u32 s2, $0x1;
	s6 =	simm.s32 $0x0;
	s9 =	ssub.s32 $0x2, s7  }
0x9: {  	v1 =	vor.u32 $0x10, v0;
	s7 =	sor.u32 s8, s7;
	[smem:$0x7FF] =	sst s6;
	s31 =	sshrl.u32 s9, $0x1  }
0xa: {  	v2 =	vor.u32 $0x20, v0;
	v3 =	vor.u32 $0x30, v0;
	v4 =	vor.u32 $0x40, v0;
	s10 =	ssub.s32 $0x9E3, s7;
	_ =	strace $0x80000047;
	s9 =	ssub.s32 s9, s31  }
0xb: {  	v5 =	vor.u32 $0x50, v0;
	v6 =	vor.u32 $0x60, v0;
	v7 =	vor.u32 $0x70, v0;
	s8 =	sshrl.u32 s10, $0x5;
	s10 =	simm.s32 $0xC900;
	s9 =	smax.u32 s9, $0x1  }
.LBB2_1:
0xc: {  	[tilespmem:s10], [sflag:$0x1] =	stream.linear.gather [hbm4b:s4+s6], $0x800, $0x38;
	[tilespmem:$0xD100] =	vst v63  }
0xd: {  	_ =	swait.ge [sflag:s11], $0x800  }
0xe: {  	[sflag:s11] =	ssyncset.done $0x0  }
0xf: {  	s15 =	simm.s32 $0x0;
	[sflag:s11] =	ssyncadd.s32 $0xFFFFF800  }
.LBB2_2:
0x10: {  	s16 =	sshll.u32 s15, $0x5  }
0x11: {  	s17 =	sor.u32 s7, s16  }
0x12: {  	s16 =	smul.u32 $0x6400, s17;
	_ =	sdelay $0x1  }
0x13: {  	s16 =	sshrl.u32 s16, $0x3  }
0x14: {  	s19 =	simm.s32 $0x0;
	s17 =	smul.u32 $0xC8, s17;
	s18 =	sadd.s32 s1, s16  }
0x15: {  	[tilespmem:s19], [sflag:$0x1] =	stream.linear.gather [hbm4b:s18+s19], $0x6400, $0x38;
	[tilespmem:$0xD100] =	vst v63  }
0x16: {  	_ =	swait.ge [sflag:s11], $0x6400  }
0x17: {  	s17 =	sshrl.u32 s17, $0x3;
	[sflag:s11] =	ssyncset.done $0x0  }
0x18: {  	v8 =	vmov s19;
	s17 =	sadd.s32 s3, s17;
	[sflag:s11] =	ssyncadd.s32 $0xFFFF9C00  }
0x19: {  	[tilespmem:s12], [sflag:$0x1] =	stream.linear.gather [hbm4b:s17+s19], $0xC8, $0x38;
	[tilespmem:$0xD100] =	vst v63  }
0x1a: {  	_ =	swait.ge [sflag:s11], $0xC8  }
0x1b: {  	[sflag:s11] =	ssyncset.done $0x0  }
0x1c: {  	[sflag:s11] =	ssyncadd.s32 $0xFFFFFF38  }
0x1d: {  	v8 =	vld.idx.msk [tilespmem:v8+s12+$0x0], $0xffff;
	_ =	sdelay $0x4  }
0x1e: {  	v8 =	vshll.u32 v8, $0x7  }
0x1f: {  	v9 =	vor.u32 v0, v8;
	_ =	sdelay $0x2  }
0x20: {  	s18 =	simm.s32 $0x40  }
0x21: {  	v10 =	vld [tilespmem:s18+$0xFFFFFFC0]  }
0x22: {  	v9 =	vld.idx.msk [tilespmem:v9+s10+$0x0], $0xffff;
	_ =	sdelay $0x2  }
0x23: {  	v11 =	vor.u32 v1, v8;
	_ =	sdelay $0x1  }
0x24: {  	v9 =	vmul.f32 v10, v9  }
0x25: {  	s17 =	simm.s32 $0x6440  }
0x26: {  	[tilespmem:s17+$0xFFFFFFC0] =	vst v9  }
0x27: {  	v9 =	vld.idx.msk [tilespmem:v11+s10+$0x0], $0xffff  }
0x28: {  	v10 =	vld [tilespmem:s18+$0xFFFFFFD0];
	_ =	sdelay $0x2  }
0x29: {  	v11 =	vor.u32 v2, v8;
	_ =	sdelay $0x1  }
0x2a: {  	v9 =	vmul.f32 v10, v9;
	_ =	sdelay $0x1  }
0x2b: {  	[tilespmem:s17+$0xFFFFFFD0] =	vst v9  }
0x2c: {  	v9 =	vld.idx.msk [tilespmem:v11+s10+$0x0], $0xffff  }
0x2d: {  	v10 =	vld [tilespmem:s18+$0xFFFFFFE0];
	_ =	sdelay $0x2  }
0x2e: {  	v11 =	vor.u32 v3, v8;
	_ =	sdelay $0x1  }
0x2f: {  	v9 =	vmul.f32 v10, v9;
	_ =	sdelay $0x1  }
0x30: {  	[tilespmem:s17+$0xFFFFFFE0] =	vst v9  }
0x31: {  	v9 =	vld.idx.msk [tilespmem:v11+s10+$0x0], $0xffff  }
0x32: {  	v10 =	vld [tilespmem:s18+$0xFFFFFFF0];
	_ =	sdelay $0x2  }
0x33: {  	v11 =	vor.u32 v4, v8;
	_ =	sdelay $0x1  }
0x34: {  	v9 =	vmul.f32 v10, v9;
	_ =	sdelay $0x1  }
0x35: {  	[tilespmem:s17+$0xFFFFFFF0] =	vst v9  }
0x36: {  	v9 =	vld.idx.msk [tilespmem:v11+s10+$0x0], $0xffff  }
0x37: {  	v10 =	vld [tilespmem:s18+$0x0];
	_ =	sdelay $0x2  }
0x38: {  	v11 =	vor.u32 v5, v8;
	_ =	sdelay $0x1  }
0x39: {  	v9 =	vmul.f32 v10, v9;
	_ =	sdelay $0x1  }
0x3a: {  	[tilespmem:s17+$0x0] =	vst v9  }
0x3b: {  	v9 =	vld.idx.msk [tilespmem:v11+s10+$0x0], $0xffff  }
0x3c: {  	v10 =	vld [tilespmem:s18+$0x10];
	_ =	sdelay $0x2  }
0x3d: {  	v11 =	vor.u32 v6, v8;
	_ =	sdelay $0x1  }
0x3e: {  	v9 =	vmul.f32 v10, v9;
	_ =	sdelay $0x1  }
0x3f: {  	[tilespmem:s17+$0x10] =	vst v9  }
0x40: {  	v9 =	vld.idx.msk [tilespmem:v11+s10+$0x0], $0xffff  }
0x41: {  	v10 =	vld [tilespmem:s18+$0x20];
	_ =	sdelay $0x2  }
0x42: {  	v8 =	vor.u32 v7, v8;
	_ =	sdelay $0x1  }
0x43: {  	v9 =	vmul.f32 v10, v9;
	_ =	sdelay $0x1  }
0x44: {  	[tilespmem:s17+$0x20] =	vst v9  }
0x45: {  	v9 =	vld.idx.msk [tilespmem:v8+s10+$0x0], $0xffff  }
0x46: {  	v10 =	vld [tilespmem:s18+$0x30];
	_ =	sdelay $0x1  }
0x47: {  	s31 =	simm.s32 $0x1  }
0x48: {  	v8 =	vmov s31;
	_ =	sdelay $0x1  }
0x49: {  	s21 =	simm.s32 $0x2;
	v9 =	vmul.f32 v10, v9  }
.LBB2_3:
0x4a: {  	s18 =	sadd.s32 $0x80, s18  }
0x4b: {  	s20 =	smov.u32 s21;
	s19 =	sadd.s32 $0x1, s21;
	[tilespmem:s17+$0x30] =	vst v9;
	s17 =	sadd.s32 $0x80, s17  }
0x4c: {  	p0 =	sne.s32 s21, $0xC7;
	v8 =	vld.idx.msk [tilespmem:v8+s12+$0x0], $0xffff;
	_ =	sdelay $0x5  }
0x4d: {  	v8 =	vshll.u32 v8, $0x7  }
0x4e: {  	v9 =	vor.u32 v0, v8;
	_ =	sdelay $0x4  }
0x4f: {  	v9 =	vld.idx.msk [tilespmem:v9+s10+$0x0], $0xffff  }
0x50: {  	v10 =	vld [tilespmem:s18+$0xFFFFFFC0];
	_ =	sdelay $0x2  }
0x51: {  	v11 =	vor.u32 v1, v8;
	_ =	sdelay $0x1  }
0x52: {  	v9 =	vmul.f32 v10, v9;
	_ =	sdelay $0x1  }
0x53: {  	[tilespmem:s17+$0xFFFFFFC0] =	vst v9  }
0x54: {  	v9 =	vld.idx.msk [tilespmem:v11+s10+$0x0], $0xffff  }
0x55: {  	v10 =	vld [tilespmem:s18+$0xFFFFFFD0];
	_ =	sdelay $0x2  }
0x56: {  	v11 =	vor.u32 v2, v8;
	_ =	sdelay $0x1  }
0x57: {  	v9 =	vmul.f32 v10, v9;
	_ =	sdelay $0x1  }
0x58: {  	[tilespmem:s17+$0xFFFFFFD0] =	vst v9  }
0x59: {  	v9 =	vld.idx.msk [tilespmem:v11+s10+$0x0], $0xffff  }
0x5a: {  	v10 =	vld [tilespmem:s18+$0xFFFFFFE0];
	_ =	sdelay $0x2  }
0x5b: {  	v11 =	vor.u32 v3, v8;
	_ =	sdelay $0x1  }
0x5c: {  	v9 =	vmul.f32 v10, v9;
	_ =	sdelay $0x1  }
0x5d: {  	[tilespmem:s17+$0xFFFFFFE0] =	vst v9  }
0x5e: {  	v9 =	vld.idx.msk [tilespmem:v11+s10+$0x0], $0xffff  }
0x5f: {  	v10 =	vld [tilespmem:s18+$0xFFFFFFF0];
	_ =	sdelay $0x2  }
0x60: {  	v11 =	vor.u32 v4, v8;
	_ =	sdelay $0x1  }
0x61: {  	v9 =	vmul.f32 v10, v9;
	_ =	sdelay $0x1  }
0x62: {  	[tilespmem:s17+$0xFFFFFFF0] =	vst v9  }
0x63: {  	v9 =	vld.idx.msk [tilespmem:v11+s10+$0x0], $0xffff  }
0x64: {  	v10 =	vld [tilespmem:s18+$0x0];
	_ =	sdelay $0x2  }
0x65: {  	v11 =	vor.u32 v5, v8;
	_ =	sdelay $0x1  }
0x66: {  	v9 =	vmul.f32 v10, v9;
	_ =	sdelay $0x1  }
0x67: {  	[tilespmem:s17+$0x0] =	vst v9  }
0x68: {  	v9 =	vld.idx.msk [tilespmem:v11+s10+$0x0], $0xffff  }
0x69: {  	v10 =	vld [tilespmem:s18+$0x10];
	_ =	sdelay $0x2  }
0x6a: {  	v11 =	vor.u32 v6, v8;
	_ =	sdelay $0x1  }
0x6b: {  	v9 =	vmul.f32 v10, v9;
	_ =	sdelay $0x1  }
0x6c: {  	[tilespmem:s17+$0x10] =	vst v9  }
0x6d: {  	v9 =	vld.idx.msk [tilespmem:v11+s10+$0x0], $0xffff  }
0x6e: {  	v10 =	vld [tilespmem:s18+$0x20];
	_ =	sdelay $0x2  }
0x6f: {  	v8 =	vor.u32 v7, v8;
	_ =	sdelay $0x1  }
0x70: {  	v9 =	vmul.f32 v10, v9;
	_ =	sdelay $0x1  }
0x71: {  	[tilespmem:s17+$0x20] =	vst v9  }
0x72: {  	v9 =	vld.idx.msk [tilespmem:v8+s10+$0x0], $0xffff  }
0x73: {  	v10 =	vld [tilespmem:s18+$0x30]  }
.Ltmp0:
0x74: {  	(pc) =	sbr.rel @p0 .LBB2_3-.Ltmp0, $3  }
0x75: {  	_ = 	snop  }
0x76: {  	v8 =	vmov s20;
	_ =	sdelay $0x1  }
0x77: {  	s21 =	smov.u32 s19;
	v9 =	vmul.f32 v10, v9  }
0x78: {  	_ =	sdelay $0x2  }
0x79: {  	[tilespmem:s17+$0x30] =	vst v9  }
0x7a: {  	v8 =	vld.idx.msk [tilespmem:v8+s12+$0x0], $0xffff;
	_ =	sdelay $0x4  }
0x7b: {  	v8 =	vshll.u32 v8, $0x7  }
0x7c: {  	v52 =	vor.u32 v0, v8;
	_ =	sdelay $0x2  }
0x7d: {  	s18 =	sadd.s32 $0x80, s18  }
0x7e: {  	v10 =	vld [tilespmem:s18+$0xFFFFFFC0]  }
0x7f: {  	v9 =	vld.idx.msk [tilespmem:v52+s10+$0x0], $0xffff;
	_ =	sdelay $0x2  }
0x80: {  	v11 =	vor.u32 v1, v8;
	_ =	sdelay $0x1  }
0x81: {  	v9 =	vmul.f32 v10, v9  }
0x82: {  	s31 =	sadd.s32 $0x80, s17  }
0x83: {  	[tilespmem:s31+$0xFFFFFFC0] =	vst v9  }
0x84: {  	v9 =	vld.idx.msk [tilespmem:v11+s10+$0x0], $0xffff  }
0x85: {  	v53 =	vld [tilespmem:s18+$0xFFFFFFD0];
	_ =	sdelay $0x2  }
0x86: {  	v54 =	vor.u32 v2, v8;
	_ =	sdelay $0x1  }
0x87: {  	v9 =	vmul.f32 v53, v9;
	_ =	sdelay $0x1  }
0x88: {  	[tilespmem:s31+$0xFFFFFFD0] =	vst v9  }
0x89: {  	v9 =	vld.idx.msk [tilespmem:v54+s10+$0x0], $0xffff  }
0x8a: {  	v55 =	vld [tilespmem:s18+$0xFFFFFFE0];
	_ =	sdelay $0x2  }
0x8b: {  	v56 =	vor.u32 v3, v8;
	_ =	sdelay $0x1  }
0x8c: {  	v9 =	vmul.f32 v55, v9;
	_ =	sdelay $0x1  }
0x8d: {  	[tilespmem:s31+$0xFFFFFFE0] =	vst v9  }
0x8e: {  	v9 =	vld.idx.msk [tilespmem:v56+s10+$0x0], $0xffff  }
0x8f: {  	v57 =	vld [tilespmem:s18+$0xFFFFFFF0];
	_ =	sdelay $0x2  }
0x90: {  	v58 =	vor.u32 v4, v8;
	_ =	sdelay $0x1  }
0x91: {  	v9 =	vmul.f32 v57, v9;
	_ =	sdelay $0x1  }
0x92: {  	[tilespmem:s31+$0xFFFFFFF0] =	vst v9  }
0x93: {  	v9 =	vld.idx.msk [tilespmem:v58+s10+$0x0], $0xffff  }
0x94: {  	v59 =	vld [tilespmem:s18+$0x0];
	_ =	sdelay $0x2  }
0x95: {  	v60 =	vor.u32 v5, v8;
	_ =	sdelay $0x1  }
0x96: {  	v9 =	vmul.f32 v59, v9;
	_ =	sdelay $0x1  }
0x97: {  	[tilespmem:s31+$0x0] =	vst v9  }
0x98: {  	v9 =	vld.idx.msk [tilespmem:v60+s10+$0x0], $0xffff  }
0x99: {  	v61 =	vld [tilespmem:s18+$0x10];
	_ =	sdelay $0x2  }
0x9a: {  	v62 =	vor.u32 v6, v8;
	_ =	sdelay $0x1  }
0x9b: {  	v9 =	vmul.f32 v61, v9;
	_ =	sdelay $0x1  }
0x9c: {  	[tilespmem:s31+$0x10] =	vst v9  }
0x9d: {  	v9 =	vld.idx.msk [tilespmem:v62+s10+$0x0], $0xffff  }
0x9e: {  	v63 =	vld [tilespmem:s18+$0x20];
	_ =	sdelay $0x2  }
0x9f: {  	v8 =	vor.u32 v7, v8;
	_ =	sdelay $0x1  }
0xa0: {  	v9 =	vmul.f32 v63, v9;
	_ =	sdelay $0x1  }
0xa1: {  	[tilespmem:s31+$0x20] =	vst v9  }
0xa2: {  	v8 =	vld.idx.msk [tilespmem:v8+s10+$0x0], $0xffff  }
0xa3: {  	v9 =	vld [tilespmem:s18+$0x30];
	_ =	sdelay $0x4  }
0xa4: {  	s15 =	sadd.s32 $0x1, s15;
	v8 =	vmul.f32 v9, v8  }
0xa5: {  	p0 =	sne.s32 s15, s8  }
.Ltmp1:
0xa6: {  	s16 =	sadd.s32 s5, s16;
	[tilespmem:s31+$0x30] =	vst v8;
	(pc) =	sbr.rel @p0 .LBB2_2-.Ltmp1, $4  }
0xa7: {  	[hbm4b:s16+s6] =	stream.linear.scatter [tilespmem:s13], [sflag:$0x1], $0x6400, $0x38;
	[tilespmem:$0xD100] =	vst v63  }
0xa8: {  	_ =	swait.ge [sflag:s11], $0x6400  }
0xa9: {  	[sflag:s11] =	ssyncset.done $0x0  }
0xaa: {  	[sflag:s11] =	ssyncadd.s32 $0xFFFF9C00  }
0xab: {  	s14 =	sadd.s32 $0x1, s14  }
0xac: {  	p0 =	sne.s32 s14, s9  }
.Ltmp2:
0xad: {  	_ = 	snop;
	(pc) =	sbr.rel @p0 .LBB2_1-.Ltmp2, $1  }
0xae: {  	_ =	sdelay $0x3  }
0xaf: {  	_ =	sfence.sel $0x180000  }
0xb0: {  	[bflag:$0x0] =	sbarrier.arrive $0xFFFF  }
0xb1: {  	p0 =	sne.s32 s2, $0x0;
	_ =	strace $0x90000047  }
0xb2: {  	s0 =	sadd.s32 @!p0 $0x100000, s0;
	[bflag:$0x2] =	sbarrier.arrive $0xFFFF  }
0xb3: {  	[sflag:s0] =	ssyncadd.tile.s32 @!p0 $0x1;
	_ =	shalt  }
.Lfunc_end2:
_tile_overlayer_lowered:
.L_overlay_start_2:
0xb4: {  	(tag) =	ssettag $0x2  }
0xb5: {  	s0 =	rddreg [dreg:$0x0];
	s2 =	stileid.u32  }
0xb6: {  	s1 =	rddreg [dreg:$0x1];
	p0 =	sne.s32 s2, $0x0  }
0xb7: {  	s3 =	rddreg [dreg:$0x2];
	[bflag:$0x3] =	sbarrier.arrive $0xFFFF;
	s2 =	simm.s32 @!p0 $0x1C01  }
0xb8: {  	[timem:s3], [sflag:s2] =	dma.local @!p0 [hbm:s0], s1  }
0xb9: {  	s0 =	simm.s32 @!p0 $0x1  }
0xba: {  	_ =	swait.ge @!p0 [sflag:s0], s1  }
0xbb: {  	s1 =	ssub.s32 @!p0 $0x0, s1;
	[sflag:s0] =	ssyncset.done @!p0 $0x0  }
0xbc: {  	[sflag:s0] =	ssyncadd.s32 @!p0 s1  }
0xbd: {  	[bflag:$0x3] =	sbarrier.arrive $0xFFFF  }
0xbe: {  	_ =	shalt  }

</sc_bundles>
